<compile_context>
chip_gen: v7x
topology: tpu7x:2x2x1
jax: 0.10.2.dev20260603
libtpu: 0.0.44.dev20260713+nightly
codegen_flags: <defaults>
</compile_context>

<pallas_src>
import dataclasses

import jax
import jax.numpy as jnp
from jax.experimental import pallas as pl
from jax.experimental.pallas import tpu as pltpu
from jax.experimental.pallas import tpu_sc as plsc

K = 8192
D = 32
N = 9216
T = 288
NSUB = 32
TOK = N // NSUB
BETA = 0.25


def _sc_compiler_params():
    cp = pltpu.CompilerParams()
    if "needs_layout_passes" in pltpu.CompilerParams.__dataclass_fields__:
        cp = dataclasses.replace(cp, needs_layout_passes=False)
    return cp


def _argmin_onehot_body(x_ref, c2_ref, cbt_ref, oh_ref, idx_ref):
    xf = x_ref[...]
    xb2 = (2.0 * xf).astype(jnp.bfloat16)
    cross2 = jax.lax.dot_general(
        xb2, cbt_ref[...], (((1,), (0,)), ((), ())),
        preferred_element_type=jnp.float32)
    x2 = jnp.sum(xf ** 2, axis=1, keepdims=True)
    dist = (x2 + c2_ref[...]) - cross2

    m = jnp.min(dist, axis=1, keepdims=True)
    iota = jax.lax.broadcasted_iota(jnp.int32, (T, K), 1)
    idxv = jnp.min(jnp.where(dist == m, iota.astype(jnp.float32), float(K)),
                   axis=1, keepdims=True)
    idxi = idxv.astype(jnp.int32)
    oh_ref[...] = (iota == idxi).astype(jnp.float32)
    idx_ref[...] = idxi


def _sc_lookup_kernel(idx_hbm, cb_hbm, zero_hbm,
                      xq_hbm, hist_hbm,
                      idx_vmem, xq_vmem, hist_vmem,
                      sem_g, sem_z):
    c = jax.lax.axis_index("c")
    s = jax.lax.axis_index("s")
    base = (c * 16 + s) * TOK

    pltpu.sync_copy(idx_hbm.at[pl.ds(base, TOK)], idx_vmem)
    cp_g = pltpu.async_copy(cb_hbm.at[idx_vmem], xq_vmem, sem_g)
    cp_z = pltpu.async_copy(zero_hbm, hist_vmem, sem_z)
    cp_z.wait()

    @pl.loop(0, TOK, step=16)
    def _hist(t):
        plsc.addupdate_scatter(hist_vmem, [idx_vmem[pl.ds(t, 16)]],
                               jnp.ones((16,), jnp.float32))

    cp_g.wait()
    pltpu.sync_copy(xq_vmem, xq_hbm.at[pl.ds(base, TOK)])
    pltpu.sync_copy(hist_vmem, hist_hbm.at[c * 16 + s])


def _finish_body(hp_ref, x_ref, xq_ref, st_ref, vq_ref, cl_ref, cm_ref,
                 perp_ref):
    hist = jnp.sum(hp_ref[...], axis=0, keepdims=True)
    p = hist / N
    ent = jnp.sum(p * jnp.log(p + 1e-10), axis=(0, 1), keepdims=True)
    perp_ref[...] = jnp.exp(-ent)
    xf = x_ref[...]
    dv = xq_ref[...][:, :D] - xf
    st_ref[...] = xf + dv
    loss = jnp.sum(dv * dv, axis=(0, 1), keepdims=True)
    mse = loss / (N * D)
    cl_ref[...] = mse
    cm_ref[...] = mse
    vq_ref[...] = mse + mse * BETA


def kernel(x, codebook):
    b, d, h, w = x.shape
    xt = jnp.transpose(x, (0, 2, 3, 1))
    x_flat = xt.reshape(-1, d)
    c2 = jnp.sum(codebook ** 2, axis=1).reshape(1, K)
    cbt_bf = codebook.astype(jnp.bfloat16).T

    one_hot, idx2d = pl.pallas_call(
        _argmin_onehot_body,
        grid=(N // T,),
        in_specs=[
            pl.BlockSpec((T, D), lambda i: (i, 0)),
            pl.BlockSpec((1, K), lambda i: (0, 0)),
            pl.BlockSpec((D, K), lambda i: (0, 0)),
        ],
        out_specs=[
            pl.BlockSpec((T, K), lambda i: (i, 0)),
            pl.BlockSpec((T, 1), lambda i: (i, 0)),
        ],
        out_shape=[
            jax.ShapeDtypeStruct((N, K), jnp.float32),
            jax.ShapeDtypeStruct((N, 1), jnp.int32),
        ],
        compiler_params=pltpu.CompilerParams(
            dimension_semantics=("parallel",)),
    )(x_flat, c2, cbt_bf)

    idx = idx2d.reshape(N)

    sc_kernel = pl.kernel(
        _sc_lookup_kernel,
        out_type=[
            jax.ShapeDtypeStruct((N, 128), jnp.float32),
            jax.ShapeDtypeStruct((NSUB, K), jnp.float32),
        ],
        mesh=plsc.VectorSubcoreMesh(core_axis_name="c", subcore_axis_name="s"),
        compiler_params=_sc_compiler_params(),
        scratch_types=[
            pltpu.VMEM((TOK,), jnp.int32),
            pltpu.VMEM((TOK, 128), jnp.float32),
            pltpu.VMEM((K,), jnp.float32),
            pltpu.SemaphoreType.DMA,
            pltpu.SemaphoreType.DMA,
        ],
    )
    cb_pad = jnp.pad(codebook, ((0, 0), (0, 128 - D)))
    zero_k = jnp.zeros((K,), jnp.float32)
    xq_pad, hist_parts = sc_kernel(idx, cb_pad, zero_k)

    st_flat, vq, cl, cm, perp = pl.pallas_call(
        _finish_body,
        out_shape=[jax.ShapeDtypeStruct((N, D), jnp.float32)]
        + [jax.ShapeDtypeStruct((1, 1), jnp.float32)] * 4,
    )(hist_parts, x_flat, xq_pad)

    x_q_st = jnp.transpose(st_flat.reshape(b, h, w, d), (0, 3, 1, 2))
    return (vq.reshape(()), cl.reshape(()), cm.reshape(()),
            x_q_st, perp.reshape(()), one_hot)

# --- scband reference (transcript-rebuilt; emitter-appended) ---
"""Pipeline reference for scband-vector-quantizer-72636486910348 (READ-ONLY COPY).

The authoritative reference and input builder live on the scoring server;
editing this copy changes nothing except your own understanding.
"""

import jax, jax.numpy as jnp
import numpy as np

K = 8192
D = 32
BETA = 0.25

def setup_inputs(seed: int = 0) -> dict:
    key = jax.random.key(seed)
    k1, k2 = jax.random.split(key)
    x = jax.random.normal(k1, (16, 32, 24, 24), dtype=jnp.float32)
    codebook = jax.random.uniform(k2, (K, D), dtype=jnp.float32, minval=-1.0 / K, maxval=1.0 / K)
    return {"x": x, "codebook": codebook}

def reference(x, codebook):
    b, d, h, w = x.shape
    xt = jnp.transpose(x, (0, 2, 3, 1))  # b h w d
    x_flat = xt.reshape(-1, d)  # (b h w) d
    distances = (jnp.sum(x_flat ** 2, axis=1, keepdims=True)
                 + jnp.sum(codebook ** 2, axis=1)
                 - 2.0 * jnp.einsum('ik,kj->ij', x_flat, codebook.T))
    encoding_indices = jnp.argmin(distances, axis=1)  # (bhw,)
    encoding_one_hot = jax.nn.one_hot(encoding_indices, codebook.shape[0], dtype=jnp.float32)
    x_quantized = jnp.einsum('ik,kj->ij', encoding_one_hot, codebook)
    x_quantized = x_quantized.reshape(b, h, w, d)
    commitment_loss = jnp.mean((jax.lax.stop_gradient(x_quantized) - xt) ** 2)
    codebook_loss = jnp.mean((x_quantized - jax.lax.stop_gradient(xt)) ** 2)
    vq_loss = codebook_loss + commitment_loss * BETA
    x_quantized_st = xt + jax.lax.stop_gradient(x_quantized - xt)
    avg_probs = jnp.mean(encoding_one_hot, axis=0)
    perplexity = jnp.exp(-jnp.sum(avg_probs * jnp.log(avg_probs + 1e-10)))
    return (vq_loss, codebook_loss, commitment_loss,
            jnp.transpose(x_quantized_st, (0, 3, 1, 2)), perplexity, encoding_one_hot)

if __name__ == "__main__":
    import jax
    _d = setup_inputs()
    print(jax.jit(kernel)(*tuple(_d.values())))

</pallas_src>

<mosaic_0001>
#map = affine_map<(d0, d1) -> (0)>
#map1 = affine_map<(d0, d1) -> (0, 0)>
module attributes {stable_mosaic.version = 14 : i64} {
  func.func @_sc_lookup_kernel(%arg0: i32, %arg1: i32, %arg2: memref<9216xi32, #tpu.memory_space<hbm>>, %arg3: memref<8192x128xf32, #tpu.memory_space<hbm>>, %arg4: memref<8192xf32, #tpu.memory_space<hbm>>, %arg5: memref<9216x128xf32, #tpu.memory_space<hbm>>, %arg6: memref<32x8192xf32, #tpu.memory_space<hbm>>, %arg7: memref<288xi32, #tpu.memory_space<vmem>>, %arg8: memref<288x128xf32, #tpu.memory_space<vmem>>, %arg9: memref<8192xf32, #tpu.memory_space<vmem>>, %arg10: memref<!tpu.dma_semaphore, #tpu.memory_space<semaphore_mem>>, %arg11: memref<!tpu.dma_semaphore, #tpu.memory_space<semaphore_mem>>) attributes {dimension_semantics = [#tpu.dimension_semantics<core_parallel>, #tpu.dimension_semantics<subcore_parallel>], iteration_bounds = array<i64: 2, 16>, scalar_prefetch = 0 : i64, scratch_operands = 5 : i64, tpu.core_type = #tpu.core_type<sc_vector_subcore>, window_params = [{transform_indices = #map}, {transform_indices = #map1}, {transform_indices = #map}, {transform_indices = #map1}, {transform_indices = #map1}]} {
    %mul3A = arith.constant 16 : i32
    %mul3A_0 = arith.muli %arg0, %mul3A : i32
    %add3A = arith.addi %mul3A_0, %arg1 : i32
    %mul3A_1 = arith.constant 288 : i32
    %mul3A_2 = arith.muli %add3A, %mul3A_1 : i32
    "tpu.region"() ({
      %run_scoped3A = tpu.sem_alloc : memref<!tpu.dma_semaphore, #tpu.memory_space<semaphore_mem>>
      %dma_start3A_14 = tpu.memref_slice %arg2[%mul3A_2] : memref<9216xi32, #tpu.memory_space<hbm>> -> memref<288xi32, #tpu.memory_space<hbm>>
      %dma_start3A_15 = tpu.memref_slice %arg2[%mul3A_2] : memref<9216xi32, #tpu.memory_space<hbm>> -> memref<288xi32, #tpu.memory_space<hbm>>
      tpu.enqueue_dma source(%dma_start3A_15 : memref<288xi32, #tpu.memory_space<hbm>>) target(%arg7 : memref<288xi32, #tpu.memory_space<vmem>>) target_semaphore(%run_scoped3A : memref<!tpu.dma_semaphore, #tpu.memory_space<semaphore_mem>>)
      %dma_wait3A_16 = tpu.memref_slice %arg2[%mul3A_2] : memref<9216xi32, #tpu.memory_space<hbm>> -> memref<288xi32, #tpu.memory_space<hbm>>
      %dma_wait3A_17 = tpu.memref_slice %arg2[%mul3A_2] : memref<9216xi32, #tpu.memory_space<hbm>> -> memref<288xi32, #tpu.memory_space<hbm>>
      tpu.wait_dma2 semaphore(%run_scoped3A : memref<!tpu.dma_semaphore, #tpu.memory_space<semaphore_mem>>) src(%dma_wait3A_17 : memref<288xi32, #tpu.memory_space<hbm>>) dst(%arg7 : memref<288xi32, #tpu.memory_space<vmem>>)
      tpu.yield
    }) : () -> ()
    %dma_start3A = arith.constant 0 : i32
    %dma_start3A_3 = arith.constant 0 : i32
    %dma_start3A_4 = tpu.memref_slice %arg3[%dma_start3A, %dma_start3A_3] : memref<8192x128xf32, #tpu.memory_space<hbm>> -> memref<8192x128xf32, #tpu.memory_space<hbm>>
    tpu.enqueue_indirect_dma source(%dma_start3A_4 : memref<8192x128xf32, #tpu.memory_space<hbm>>) target(%arg8 : memref<288x128xf32, #tpu.memory_space<vmem>>) offsets(%arg7 : memref<288xi32, #tpu.memory_space<vmem>>) semaphore(%arg10 : memref<!tpu.dma_semaphore, #tpu.memory_space<semaphore_mem>>)
    tpu.enqueue_dma source(%arg4 : memref<8192xf32, #tpu.memory_space<hbm>>) target(%arg9 : memref<8192xf32, #tpu.memory_space<vmem>>) target_semaphore(%arg11 : memref<!tpu.dma_semaphore, #tpu.memory_space<semaphore_mem>>)
    tpu.wait_dma2 semaphore(%arg11 : memref<!tpu.dma_semaphore, #tpu.memory_space<semaphore_mem>>) src(%arg4 : memref<8192xf32, #tpu.memory_space<hbm>>) dst(%arg9 : memref<8192xf32, #tpu.memory_space<vmem>>)
    %scan3A = arith.constant 0 : i32
    %scan3A_5 = arith.constant 18 : i32
    %scan3A_6 = arith.addi %scan3A, %scan3A_5 : i32
    %scan3A_7 = arith.constant 1 : i32
    scf.for %scan3A_14 = %scan3A to %scan3A_6 step %scan3A_7  : i32 {
      %mul3A_15 = arith.constant 16 : i32
      %mul3A_16 = arith.muli %scan3A_14, %mul3A_15 : i32
      %add3A_17 = arith.constant 0 : i32
      %add3A_18 = arith.addi %add3A_17, %mul3A_16 : i32
      %get3A = arith.index_cast %add3A_18 : i32 to index
      %get3A_19 = tpu.vector_load %arg7[%get3A] {strides = array<i32>} : memref<288xi32, #tpu.memory_space<vmem>>, vector<16xi32>,
      %broadcast_in_dim3A = arith.constant 1.000000e+00 : f32
      %broadcast_in_dim3A_20 = vector.broadcast %broadcast_in_dim3A : f32 to vector<16xf32>
      tpu.vector_store_idx %arg9[%get3A_19], %broadcast_in_dim3A_20 {add = true} : memref<8192xf32, #tpu.memory_space<vmem>>[vector<16xi32>], vector<16xf32>,
    }
    %scan3A_8 = arith.constant 18 : i32
    %dma_wait3A = arith.constant 0 : i32
    %dma_wait3A_9 = arith.constant 0 : i32
    %dma_wait3A_10 = tpu.memref_slice %arg3[%dma_wait3A, %dma_wait3A_9] : memref<8192x128xf32, #tpu.memory_space<hbm>> -> memref<8192x128xf32, #tpu.memory_space<hbm>>
    tpu.wait_indirect_dma semaphore(%arg10 : memref<!tpu.dma_semaphore, #tpu.memory_space<semaphore_mem>>) src(%dma_wait3A_10 : memref<8192x128xf32, #tpu.memory_space<hbm>>) dst(%arg8 : memref<288x128xf32, #tpu.memory_space<vmem>>)
    "tpu.region"() ({
      %run_scoped3A = tpu.sem_alloc : memref<!tpu.dma_semaphore, #tpu.memory_space<semaphore_mem>>
      %dma_start3A_14 = arith.constant 0 : i32
      %dma_start3A_15 = tpu.memref_slice %arg5[%mul3A_2, %dma_start3A_14] : memref<9216x128xf32, #tpu.memory_space<hbm>> -> memref<288x128xf32, #tpu.memory_space<hbm>>
      %dma_start3A_16 = arith.constant 0 : i32
      %dma_start3A_17 = tpu.memref_slice %arg5[%mul3A_2, %dma_start3A_16] : memref<9216x128xf32, #tpu.memory_space<hbm>> -> memref<288x128xf32, #tpu.memory_space<hbm>>
      tpu.enqueue_dma source(%arg8 : memref<288x128xf32, #tpu.memory_space<vmem>>) target(%dma_start3A_17 : memref<288x128xf32, #tpu.memory_space<hbm>>) target_semaphore(%run_scoped3A : memref<!tpu.dma_semaphore, #tpu.memory_space<semaphore_mem>>)
      %dma_wait3A_18 = arith.constant 0 : i32
      %dma_wait3A_19 = tpu.memref_slice %arg5[%mul3A_2, %dma_wait3A_18] : memref<9216x128xf32, #tpu.memory_space<hbm>> -> memref<288x128xf32, #tpu.memory_space<hbm>>
      %dma_wait3A_20 = arith.constant 0 : i32
      %dma_wait3A_21 = tpu.memref_slice %arg5[%mul3A_2, %dma_wait3A_20] : memref<9216x128xf32, #tpu.memory_space<hbm>> -> memref<288x128xf32, #tpu.memory_space<hbm>>
      tpu.wait_dma2 semaphore(%run_scoped3A : memref<!tpu.dma_semaphore, #tpu.memory_space<semaphore_mem>>) src(%arg8 : memref<288x128xf32, #tpu.memory_space<vmem>>) dst(%dma_wait3A_21 : memref<288x128xf32, #tpu.memory_space<hbm>>)
      tpu.yield
    }) : () -> ()
    %mul3A_11 = arith.constant 16 : i32
    %mul3A_12 = arith.muli %arg0, %mul3A_11 : i32
    %add3A_13 = arith.addi %mul3A_12, %arg1 : i32
    "tpu.region"() ({
      %run_scoped3A = tpu.sem_alloc : memref<!tpu.dma_semaphore, #tpu.memory_space<semaphore_mem>>
      %dma_start3A_14 = arith.constant 0 : i32
      %dma_start3A_15 = tpu.memref_slice %arg6[%add3A_13, %dma_start3A_14] : memref<32x8192xf32, #tpu.memory_space<hbm>> -> memref<1x8192xf32, #tpu.memory_space<hbm>>
      %dma_start3A_16 = tpu.memref_squeeze %dma_start3A_15 : memref<1x8192xf32, #tpu.memory_space<hbm>> -> memref<8192xf32, #tpu.memory_space<hbm>>
      %dma_start3A_17 = arith.constant 0 : i32
      %dma_start3A_18 = tpu.memref_slice %arg6[%add3A_13, %dma_start3A_17] : memref<32x8192xf32, #tpu.memory_space<hbm>> -> memref<1x8192xf32, #tpu.memory_space<hbm>>
      %dma_start3A_19 = tpu.memref_squeeze %dma_start3A_18 : memref<1x8192xf32, #tpu.memory_space<hbm>> -> memref<8192xf32, #tpu.memory_space<hbm>>
      tpu.enqueue_dma source(%arg9 : memref<8192xf32, #tpu.memory_space<vmem>>) target(%dma_start3A_19 : memref<8192xf32, #tpu.memory_space<hbm>>) target_semaphore(%run_scoped3A : memref<!tpu.dma_semaphore, #tpu.memory_space<semaphore_mem>>)
      %dma_wait3A_20 = arith.constant 0 : i32
      %dma_wait3A_21 = tpu.memref_slice %arg6[%add3A_13, %dma_wait3A_20] : memref<32x8192xf32, #tpu.memory_space<hbm>> -> memref<1x8192xf32, #tpu.memory_space<hbm>>
      %dma_wait3A_22 = tpu.memref_squeeze %dma_wait3A_21 : memref<1x8192xf32, #tpu.memory_space<hbm>> -> memref<8192xf32, #tpu.memory_space<hbm>>
      %dma_wait3A_23 = arith.constant 0 : i32
      %dma_wait3A_24 = tpu.memref_slice %arg6[%add3A_13, %dma_wait3A_23] : memref<32x8192xf32, #tpu.memory_space<hbm>> -> memref<1x8192xf32, #tpu.memory_space<hbm>>
      %dma_wait3A_25 = tpu.memref_squeeze %dma_wait3A_24 : memref<1x8192xf32, #tpu.memory_space<hbm>> -> memref<8192xf32, #tpu.memory_space<hbm>>
      tpu.wait_dma2 semaphore(%run_scoped3A : memref<!tpu.dma_semaphore, #tpu.memory_space<semaphore_mem>>) src(%arg9 : memref<8192xf32, #tpu.memory_space<vmem>>) dst(%dma_wait3A_25 : memref<8192xf32, #tpu.memory_space<hbm>>)
      tpu.yield
    }) : () -> ()
    return
  }
}

module attributes {stable_mosaic.version = 14 : i64} {
  func.func @_argmin_onehot_body(%arg0: i32, %arg1: memref<288x32xf32, #tpu.memory_space<vmem>>, %arg2: memref<1x8192xf32, #tpu.memory_space<vmem>>, %arg3: memref<32x8192xbf16, #tpu.memory_space<vmem>>, %arg4: memref<288x8192xf32, #tpu.memory_space<vmem>>, %arg5: memref<288x1xi32, #tpu.memory_space<vmem>>) attributes {dimension_semantics = [#tpu.dimension_semantics<parallel>], iteration_bounds = array<i64: 32>, scalar_prefetch = 0 : i64, scratch_operands = 0 : i64, tpu.core_type = #tpu.core_type<tc>, window_params = [{transform_indices = @transform_0, window_bounds = array<i64: 288, 32>}, {pipeline_mode = #tpu.pipeline_mode<synchronous>, transform_indices = @transform_1, window_bounds = array<i64: 1, 8192>}, {pipeline_mode = #tpu.pipeline_mode<synchronous>, transform_indices = @transform_2, window_bounds = array<i64: 32, 8192>}, {transform_indices = @transform_3, window_bounds = array<i64: 288, 8192>}, {transform_indices = @transform_4, window_bounds = array<i64: 288, 1>}]} {
    %get3A = arith.constant 0 : index
    %get3A_0 = arith.constant 0 : index
    %get3A_1 = vector.load %arg1[%get3A, %get3A_0] : memref<288x32xf32, #tpu.memory_space<vmem>>, vector<288x32xf32>
    %mul3A = arith.constant 2.000000e+00 : f32
    %mul3A_2 = vector.broadcast %mul3A : f32 to vector<288x32xf32>
    %mul3A_3 = arith.mulf %mul3A_2, %get3A_1 : vector<288x32xf32>
    %convert_element_type3A = arith.truncf %mul3A_3 : vector<288x32xf32> to vector<288x32xbf16>
    %get3A_4 = arith.constant 0 : index
    %get3A_5 = arith.constant 0 : index
    %get3A_6 = vector.load %arg3[%get3A_4, %get3A_5] : memref<32x8192xbf16, #tpu.memory_space<vmem>>, vector<32x8192xbf16>
    %dot_general3A = arith.constant dense<0.000000e+00> : vector<288x8192xf32>
    %dot_general3A_7 = tpu.matmul %convert_element_type3A, %get3A_6, %dot_general3A {dimension_numbers = #tpu.dot_dimension_numbers<[1], [0], [0], [1], [0, 0, 1, 1], [], []>, transpose_lhs_hint = false} : vector<288x32xbf16>, vector<32x8192xbf16>, vector<288x8192xf32> -> vector<288x8192xf32>
    %integer_pow3A = arith.mulf %get3A_1, %get3A_1 : vector<288x32xf32>
    %reduce_sum3A = arith.constant dense<0.000000e+00> : vector<288xf32>
    %reduce_sum3A_8 = vector.multi_reduction <add>, %integer_pow3A, %reduce_sum3A [1] : vector<288x32xf32> to vector<288xf32>
    %broadcast_in_dim3A = vector.shape_cast %reduce_sum3A_8 : vector<288xf32> to vector<288x1xf32>
    %get3A_9 = arith.constant 0 : index
    %get3A_10 = arith.constant 0 : index
    %get3A_11 = vector.load %arg2[%get3A_9, %get3A_10] : memref<1x8192xf32, #tpu.memory_space<vmem>>, vector<1x8192xf32>
    %add3A = vector.broadcast %broadcast_in_dim3A : vector<288x1xf32> to vector<288x8192xf32>
    %add3A_12 = vector.broadcast %get3A_11 : vector<1x8192xf32> to vector<288x8192xf32>
    %add3A_13 = arith.addf %add3A, %add3A_12 : vector<288x8192xf32>
    %sub3A = arith.subf %add3A_13, %dot_general3A_7 : vector<288x8192xf32>
    %reduce_min3A = arith.constant dense<0x7F800000> : vector<288xf32>
    %reduce_min3A_14 = vector.multi_reduction <minimumf>, %sub3A, %reduce_min3A [1] : vector<288x8192xf32> to vector<288xf32>
    %broadcast_in_dim3A_15 = vector.shape_cast %reduce_min3A_14 : vector<288xf32> to vector<288x1xf32>
    %iota3A = tpu.iota {dimensions = array<i32: 1>} : vector<288x8192xi32>
    %eq3A = vector.broadcast %broadcast_in_dim3A_15 : vector<288x1xf32> to vector<288x8192xf32>
    %eq3A_16 = arith.cmpf oeq, %sub3A, %eq3A : vector<288x8192xf32>
    %convert_element_type3A_17 = arith.sitofp %iota3A : vector<288x8192xi32> to vector<288x8192xf32>
    %jit3A = arith.constant 8.192000e+03 : f32
    %broadcast_in_dim3A_18 = vector.broadcast %jit3A : f32 to vector<288x8192xf32>
    %select_n3A = arith.select %eq3A_16, %convert_element_type3A_17, %broadcast_in_dim3A_18 : vector<288x8192xi1>, vector<288x8192xf32>
    %reduce_min3A_19 = arith.constant dense<0x7F800000> : vector<288xf32>
    %reduce_min3A_20 = vector.multi_reduction <minimumf>, %select_n3A, %reduce_min3A_19 [1] : vector<288x8192xf32> to vector<288xf32>
    %broadcast_in_dim3A_21 = vector.shape_cast %reduce_min3A_20 : vector<288xf32> to vector<288x1xf32>
    %convert_element_type3A_22 = arith.fptosi %broadcast_in_dim3A_21 : vector<288x1xf32> to vector<288x1xi32>
    %eq3A_23 = vector.broadcast %convert_element_type3A_22 : vector<288x1xi32> to vector<288x8192xi32>
    %eq3A_24 = arith.cmpi eq, %iota3A, %eq3A_23 : vector<288x8192xi32>
    %convert_element_type3A_25 = arith.extui %eq3A_24 : vector<288x8192xi1> to vector<288x8192xi32>
    %convert_element_type3A_26 = arith.sitofp %convert_element_type3A_25 : vector<288x8192xi32> to vector<288x8192xf32>
    %swap3A = arith.constant 0 : index
    %swap3A_27 = arith.constant 0 : index
    %swap3A_28 = vector.load %arg4[%swap3A, %swap3A_27] : memref<288x8192xf32, #tpu.memory_space<vmem>>, vector<288x8192xf32>
    tpu.vector_store %arg4[%swap3A, %swap3A_27], %convert_element_type3A_26 {strides = array<i32>} : memref<288x8192xf32, #tpu.memory_space<vmem>>, vector<288x8192xf32>,
    %swap3A_29 = arith.constant 0 : index
    %swap3A_30 = arith.constant 0 : index
    %swap3A_31 = vector.load %arg5[%swap3A_29, %swap3A_30] : memref<288x1xi32, #tpu.memory_space<vmem>>, vector<288x1xi32>
    tpu.vector_store %arg5[%swap3A_29, %swap3A_30], %convert_element_type3A_22 {strides = array<i32>} : memref<288x1xi32, #tpu.memory_space<vmem>>, vector<288x1xi32>,
    return
  }
  func.func @transform_0(%arg0: i32) -> (i32, i32) {
    %c0_i32 = arith.constant 0 : i32
    %c0_i32_0 = arith.constant 0 : i32
    return %arg0, %c0_i32 : i32, i32
  }
  func.func @transform_1(%arg0: i32) -> (i32, i32) {
    %c0_i32 = arith.constant 0 : i32
    %c0_i32_0 = arith.constant 0 : i32
    %c0_i32_1 = arith.constant 0 : i32
    return %c0_i32, %c0_i32_0 : i32, i32
  }
  func.func @transform_2(%arg0: i32) -> (i32, i32) {
    %c0_i32 = arith.constant 0 : i32
    %c0_i32_0 = arith.constant 0 : i32
    %c0_i32_1 = arith.constant 0 : i32
    return %c0_i32, %c0_i32_0 : i32, i32
  }
  func.func @transform_3(%arg0: i32) -> (i32, i32) {
    %c0_i32 = arith.constant 0 : i32
    %c0_i32_0 = arith.constant 0 : i32
    return %arg0, %c0_i32 : i32, i32
  }
  func.func @transform_4(%arg0: i32) -> (i32, i32) {
    %c0_i32 = arith.constant 0 : i32
    %c0_i32_0 = arith.constant 0 : i32
    return %arg0, %c0_i32 : i32, i32
  }
}

module attributes {stable_mosaic.version = 14 : i64} {
  func.func @_finish_body(%arg0: memref<32x8192xf32, #tpu.memory_space<vmem>>, %arg1: memref<9216x32xf32, #tpu.memory_space<vmem>>, %arg2: memref<9216x128xf32, #tpu.memory_space<vmem>>, %arg3: memref<9216x32xf32, #tpu.memory_space<vmem>>, %arg4: memref<1x1xf32, #tpu.memory_space<vmem>>, %arg5: memref<1x1xf32, #tpu.memory_space<vmem>>, %arg6: memref<1x1xf32, #tpu.memory_space<vmem>>, %arg7: memref<1x1xf32, #tpu.memory_space<vmem>>) attributes {dimension_semantics = [], scalar_prefetch = 0 : i64, scratch_operands = 0 : i64, tpu.core_type = #tpu.core_type<tc>} {
    %get3A = arith.constant 0 : index
    %get3A_0 = arith.constant 0 : index
    %get3A_1 = vector.load %arg0[%get3A, %get3A_0] : memref<32x8192xf32, #tpu.memory_space<vmem>>, vector<32x8192xf32>
    %reduce_sum3A = arith.constant dense<0.000000e+00> : vector<8192xf32>
    %reduce_sum3A_2 = vector.multi_reduction <add>, %get3A_1, %reduce_sum3A [0] : vector<32x8192xf32> to vector<8192xf32>
    %broadcast_in_dim3A = vector.shape_cast %reduce_sum3A_2 : vector<8192xf32> to vector<1x8192xf32>
    %div3A = arith.constant 9.216000e+03 : f32
    %div3A_3 = vector.broadcast %div3A : f32 to vector<1x8192xf32>
    %div3A_4 = arith.divf %broadcast_in_dim3A, %div3A_3 : vector<1x8192xf32>
    %add3A = arith.constant 1.000000e-10 : f32
    %add3A_5 = vector.broadcast %add3A : f32 to vector<1x8192xf32>
    %add3A_6 = arith.addf %div3A_4, %add3A_5 : vector<1x8192xf32>
    %log3A = math.log %add3A_6 : vector<1x8192xf32>
    %mul3A = arith.mulf %div3A_4, %log3A : vector<1x8192xf32>
    %reduce_sum3A_7 = vector.shape_cast %mul3A : vector<1x8192xf32> to vector<1x1x8192xf32>
    %reduce_sum3A_8 = arith.constant dense<0.000000e+00> : vector<1xf32>
    %reduce_sum3A_9 = vector.multi_reduction <add>, %reduce_sum3A_7, %reduce_sum3A_8 [1, 2] : vector<1x1x8192xf32> to vector<1xf32>
    %reduce_sum3A_10 = vector.shape_cast %reduce_sum3A_9 : vector<1xf32> to vector<1x1x1xf32>
    %reduce_sum3A_11 = vector.extract %reduce_sum3A_10[0, 0, 0] : f32 from vector<1x1x1xf32>
    %broadcast_in_dim3A_12 = vector.broadcast %reduce_sum3A_11 : f32 to vector<1x1xf32>
    %neg3A = arith.constant 0.000000e+00 : f32
    %neg3A_13 = vector.broadcast %neg3A : f32 to vector<1x1xf32>
    %neg3A_14 = arith.subf %neg3A_13, %broadcast_in_dim3A_12 : vector<1x1xf32>
    %exp3A = math.exp %neg3A_14 : vector<1x1xf32>
    %swap3A = arith.constant 0 : index
    %swap3A_15 = arith.constant 0 : index
    %swap3A_16 = vector.load %arg7[%swap3A, %swap3A_15] : memref<1x1xf32, #tpu.memory_space<vmem>>, vector<1x1xf32>
    tpu.vector_store %arg7[%swap3A, %swap3A_15], %exp3A {strides = array<i32>} : memref<1x1xf32, #tpu.memory_space<vmem>>, vector<1x1xf32>,
    %get3A_17 = arith.constant 0 : index
    %get3A_18 = arith.constant 0 : index
    %get3A_19 = vector.load %arg1[%get3A_17, %get3A_18] : memref<9216x32xf32, #tpu.memory_space<vmem>>, vector<9216x32xf32>
    %get3A_20 = arith.constant 0 : index
    %get3A_21 = arith.constant 0 : index
    %get3A_22 = vector.load %arg2[%get3A_20, %get3A_21] : memref<9216x128xf32, #tpu.memory_space<vmem>>, vector<9216x128xf32>
    %slice3A = vector.extract_strided_slice %get3A_22 {offsets = [0, 0], sizes = [9216, 32], strides = [1, 1]} : vector<9216x128xf32> to vector<9216x32xf32>
    %sub3A = arith.subf %slice3A, %get3A_19 : vector<9216x32xf32>
    %add3A_23 = arith.addf %get3A_19, %sub3A : vector<9216x32xf32>
    %swap3A_24 = arith.constant 0 : index
    %swap3A_25 = arith.constant 0 : index
    %swap3A_26 = vector.load %arg3[%swap3A_24, %swap3A_25] : memref<9216x32xf32, #tpu.memory_space<vmem>>, vector<9216x32xf32>
    tpu.vector_store %arg3[%swap3A_24, %swap3A_25], %add3A_23 {strides = array<i32>} : memref<9216x32xf32, #tpu.memory_space<vmem>>, vector<9216x32xf32>,
    %mul3A_27 = arith.mulf %sub3A, %sub3A : vector<9216x32xf32>
    %reduce_sum3A_28 = vector.shape_cast %mul3A_27 : vector<9216x32xf32> to vector<1x9216x32xf32>
    %reduce_sum3A_29 = arith.constant dense<0.000000e+00> : vector<1xf32>
    %reduce_sum3A_30 = vector.multi_reduction <add>, %reduce_sum3A_28, %reduce_sum3A_29 [1, 2] : vector<1x9216x32xf32> to vector<1xf32>
    %reduce_sum3A_31 = vector.shape_cast %reduce_sum3A_30 : vector<1xf32> to vector<1x1x1xf32>
    %reduce_sum3A_32 = vector.extract %reduce_sum3A_31[0, 0, 0] : f32 from vector<1x1x1xf32>
    %broadcast_in_dim3A_33 = vector.broadcast %reduce_sum3A_32 : f32 to vector<1x1xf32>
    %div3A_34 = arith.constant 2.949120e+05 : f32
    %div3A_35 = vector.broadcast %div3A_34 : f32 to vector<1x1xf32>
    %div3A_36 = arith.divf %broadcast_in_dim3A_33, %div3A_35 : vector<1x1xf32>
    %swap3A_37 = arith.constant 0 : index
    %swap3A_38 = arith.constant 0 : index
    %swap3A_39 = vector.load %arg5[%swap3A_37, %swap3A_38] : memref<1x1xf32, #tpu.memory_space<vmem>>, vector<1x1xf32>
    tpu.vector_store %arg5[%swap3A_37, %swap3A_38], %div3A_36 {strides = array<i32>} : memref<1x1xf32, #tpu.memory_space<vmem>>, vector<1x1xf32>,
    %swap3A_40 = arith.constant 0 : index
    %swap3A_41 = arith.constant 0 : index
    %swap3A_42 = vector.load %arg6[%swap3A_40, %swap3A_41] : memref<1x1xf32, #tpu.memory_space<vmem>>, vector<1x1xf32>
    tpu.vector_store %arg6[%swap3A_40, %swap3A_41], %div3A_36 {strides = array<i32>} : memref<1x1xf32, #tpu.memory_space<vmem>>, vector<1x1xf32>,
    %mul3A_43 = arith.constant 2.500000e-01 : f32
    %mul3A_44 = vector.broadcast %mul3A_43 : f32 to vector<1x1xf32>
    %mul3A_45 = arith.mulf %div3A_36, %mul3A_44 : vector<1x1xf32>
    %add3A_46 = arith.addf %div3A_36, %mul3A_45 : vector<1x1xf32>
    %swap3A_47 = arith.constant 0 : index
    %swap3A_48 = arith.constant 0 : index
    %swap3A_49 = vector.load %arg4[%swap3A_47, %swap3A_48] : memref<1x1xf32, #tpu.memory_space<vmem>>, vector<1x1xf32>
    tpu.vector_store %arg4[%swap3A_47, %swap3A_48], %add3A_46 {strides = array<i32>} : memref<1x1xf32, #tpu.memory_space<vmem>>, vector<1x1xf32>,
    return
  }
}

</mosaic_0001>

<sc_bundles>
// kernel: kernel.5.cloned.1.call-start
scs
__scs_entry_jumppad:
0x0: {  	(pc) =	sbr.rel $0x88, $3  }
0x1: {  	(tag) =	ssettag $0x0;
	lr =	simm.s32 $0x1  }
0x2: {  	[smem:$0x3F9F] =	sst lr;
	_ =	strace $0xD0000000  }
0x3: {  	_ = 	snop  }
0x4: {  	_ = 	snop  }
0x5: {  	_ = 	snop  }
0x6: {  	_ = 	snop  }
0x7: {  	_ = 	snop  }
__scs_overlays_trampoline_lowered:
0x8: {  	[smem:$0x3FAE] =	sst s0  }
0x9: {  	[smem:$0x3FAF] =	sst s1  }
0xa: {  	[smem:$0x3FB0] =	sst s2  }
0xb: {  	[smem:$0x3FB1] =	sst s3  }
0xc: {  	[smem:$0x3FB2] =	sst s4  }
0xd: {  	[smem:$0x3FB3] =	sst s5  }
0xe: {  	[smem:$0x3FB4] =	sst s6  }
0xf: {  	[smem:$0x3FB5] =	sst s7  }
0x10: {  	[smem:$0x3FB6] =	sst s8  }
0x11: {  	[smem:$0x3FB7] =	sst s9;
	s0 =	simm.s32 @!p0 $0x0  }
0x12: {  	s1 =	sld [smem:$0x3F9D];
	s0 =	simm.s32 @p0 $0x1  }
0x13: {  	[smem:$0x3FB8] =	sst s0;
	s0 =	simm.s32 @!p1 $0x0  }
0x14: {  	s2 =	sld [smem:$0x3F9C];
	s0 =	simm.s32 @p1 $0x1  }
0x15: {  	[smem:$0x3FB9] =	sst s0;
	s0 =	simm.s32 @!p2 $0x0  }
0x16: {  	s3 =	sld [smem:$0x3FDB];
	s0 =	simm.s32 @p2 $0x1  }
0x17: {  	s4 =	simm.s32 $0x1BF5;
	[smem:$0x3FBB] =	sst s0  }
0x18: {  	s0 =	sld [smem:$0x3F9E];
	_ =	swait.ge [sflag:s4], $0x0  }
0x19: {  	s7 =	sld [smem:$0x3F9F]  }
0x1a: {  	s8 =	sadd.s32 $0xFFFFE003, lr  }
0x1b: {  	s9 =	sadd.s32 $0xFFFFFEF7, lr;
	s5 =	simm.s32 $0xFFFFFFFF;
	p2 =	slt.u32 s8, $0xFFFFF086  }
0x1c: {  	p1 =	slt.u32 s9, $0xF7A;
	s5 =	simm.s32 @!p2 $0x0  }
0x1d: {  	s5 =	simm.s32 @p1 $0x1;
	p0 =	seq.s32 s7, s2  }
0x1e: {  	s7 =	smul.u32 @!p0 $0xF7A, s2;
	p2 =	seq.s32 @!p0 s5, $0x0  }
0x1f: {  	s9 =	smul.u32 $0xF7A, s1;
	s8 =	simm.s32 @!p0 $0x1BF5;
	p2 =	por !p2, p0  }
0x20: {  	[sflag:s8] =	ssyncset.s32 @!p0 $0xFFFFF086;
	s6 =	sadd.s32 @!p0 s3, s7;
	s7 =	simm.s32 @!p0 $0x108  }
0x21: {  	s3 =	sadd.s32 s3, s9;
	s6 =	sadd.s32 @!p0 $0x88, s6;
	s7 =	simm.s32 @p2 $0x1082  }
0x22: {  	[simem:s7], [sflag:s8] =	dma.local @!p0 [hbm:s6], $0xF7A  }
0x23: {  	s9 =	sor.u32 $0xD0000000, s2;
	s6 =	simm.s32 $0x108;
	_ =	swait.ge @!p0 [sflag:s8], $0x0  }
0x24: {  	s3 =	sadd.s32 $0x88, s3;
	s6 =	simm.s32 @!p1 $0x1082;
	[sflag:s4] =	ssyncset.s32 $0xFFFFF086  }
0x25: {  	[simem:s6], [sflag:s4] =	dma.local [hbm:s3], $0xF7A  }
0x26: {  	[smem:$0x3F9F] =	sst s1;
	(tag) =	ssettag s2;
	_ =	strace s9  }
0x27: {  	s1 =	sld [smem:$0x3FAF]  }
0x28: {  	s2 =	sld [smem:$0x3FB0]  }
0x29: {  	s4 =	sld [smem:$0x3FB2]  }
0x2a: {  	p0 =	seq.s32 s5, $0x0;
	s5 =	sld [smem:$0x3FB3]  }
0x2b: {  	s6 =	sld [smem:$0x3FB4]  }
0x2c: {  	s7 =	sld [smem:$0x3FB5]  }
0x2d: {  	s3 =	simm.s32 $0x108;
	s8 =	sld [smem:$0x3FB6]  }
0x2e: {  	s3 =	simm.s32 @!p0 $0x1082;
	s9 =	sld [smem:$0x3FB7]  }
0x2f: {  	lr =	sadd.s32 s0, s3;
	s0 =	sld [smem:$0x3FAE]  }
0x30: {  	s3 =	sld [smem:$0x3FB1]  }
0x31: {  	[smem:$0x3FBA] =	sst s10  }
0x32: {  	s10 =	sld [smem:$0x3FB8];
	_ =	sdelay $0x3  }
0x33: {  	p0 =	seq.s32 s10, $0x1;
	s10 =	sld [smem:$0x3FBA];
	_ =	sdelay $0x3  }
0x34: {  	[smem:$0x3FBA] =	sst s10  }
0x35: {  	s10 =	sld [smem:$0x3FB9];
	_ =	sdelay $0x3  }
0x36: {  	p1 =	seq.s32 s10, $0x1;
	s10 =	sld [smem:$0x3FBA];
	_ =	sdelay $0x3  }
0x37: {  	[smem:$0x3FBA] =	sst s10  }
0x38: {  	s10 =	sld [smem:$0x3FBB]  }
0x39: {  	_ = 	snop;
	(pc) =	sbr.ind lr, $3  }
0x3a: {  	_ = 	snop  }
0x3b: {  	_ = 	snop  }
0x3c: {  	p2 =	seq.s32 s10, $0x1;
	s10 =	sld [smem:$0x3FBA]  }
0x3d: {  	_ =	shalt  }
0x3e: {  	_ =	shalt  }
0x3f: {  	_ =	shalt  }
0x40: {  	_ =	shalt  }
0x41: {  	_ =	shalt  }
0x42: {  	_ =	shalt  }
0x43: {  	_ =	shalt  }
0x44: {  	_ =	shalt  }
0x45: {  	_ =	shalt  }
0x46: {  	_ =	shalt  }
0x47: {  	_ =	shalt  }
0x48: {  	_ =	shalt  }
0x49: {  	_ =	shalt  }
0x4a: {  	_ =	shalt  }
0x4b: {  	_ =	shalt  }
0x4c: {  	_ =	shalt  }
0x4d: {  	_ =	shalt  }
0x4e: {  	_ =	shalt  }
0x4f: {  	_ =	shalt  }
0x50: {  	_ =	shalt  }
0x51: {  	_ =	shalt  }
0x52: {  	_ =	shalt  }
0x53: {  	_ =	shalt  }
0x54: {  	_ =	shalt  }
0x55: {  	_ =	shalt  }
0x56: {  	_ =	shalt  }
0x57: {  	_ =	shalt  }
0x58: {  	_ =	shalt  }
0x59: {  	_ =	shalt  }
0x5a: {  	_ =	shalt  }
0x5b: {  	_ =	shalt  }
0x5c: {  	_ =	shalt  }
0x5d: {  	_ =	shalt  }
0x5e: {  	_ =	shalt  }
0x5f: {  	_ =	shalt  }
0x60: {  	_ =	shalt  }
0x61: {  	_ =	shalt  }
0x62: {  	_ =	shalt  }
0x63: {  	_ =	shalt  }
0x64: {  	_ =	shalt  }
0x65: {  	_ =	shalt  }
0x66: {  	_ =	shalt  }
0x67: {  	_ =	shalt  }
0x68: {  	_ =	shalt  }
0x69: {  	_ =	shalt  }
0x6a: {  	_ =	shalt  }
0x6b: {  	_ =	shalt  }
0x6c: {  	_ =	shalt  }
0x6d: {  	_ =	shalt  }
0x6e: {  	_ =	shalt  }
0x6f: {  	_ =	shalt  }
0x70: {  	_ =	shalt  }
0x71: {  	_ =	shalt  }
0x72: {  	_ =	shalt  }
0x73: {  	_ =	shalt  }
0x74: {  	_ =	shalt  }
0x75: {  	_ =	shalt  }
0x76: {  	_ =	shalt  }
0x77: {  	_ =	shalt  }
0x78: {  	_ =	shalt  }
0x79: {  	_ =	shalt  }
0x7a: {  	_ =	shalt  }
0x7b: {  	_ =	shalt  }
0x7c: {  	_ =	shalt  }
0x7d: {  	_ =	shalt  }
0x7e: {  	_ =	shalt  }
0x7f: {  	_ =	shalt  }
0x80: {  	_ =	shalt  }
0x81: {  	_ =	shalt  }
0x82: {  	_ =	shalt  }
0x83: {  	_ =	shalt  }
0x84: {  	_ =	shalt  }
0x85: {  	_ =	shalt  }
0x86: {  	_ =	shalt  }
0x87: {  	_ =	shalt  }
.Lfunc_end0:
.L_simem_size_0:
called_computation_lowered:
.L_overlay_start_0:
0x88: {  	s2 =	sld [smem:$0x3FD9]  }
0x89: {  	s3 =	sld [smem:$0x3FFE];
	_ =	sdelay $0x1  }
0x8a: {  	s1 =	srdreg.scid  }
0x8b: {  	s0 =	sand.u32 $0x1, s1  }
0x8c: {  	s14 =	sshll.u32 s0, $0xA;
	s2 =	sadd.s32 s3, s2  }
0x8d: {  	s2 =	sadd.s32 s2, s14  }
0x8e: {  	[smem:$0x3FC6] =	sst s2  }
0x8f: {  	_ = 	snop  }
0x90: {  	s2 =	sld [smem:$0x3FD0];
	_ =	sdelay $0x2  }
0x91: {  	s15 =	simm.s32 $0xA;
	s4 =	simm.s32 $0x10  }
0x92: {  	[smem:s4], [sflag:s15] =	dma.local [hbm:s2], $0x1  }
0x93: {  	_ =	swait.eq [sflag:s15], $0x1  }
0x94: {  	[sflag:s15] =	ssyncset.done $0x0  }
0x95: {  	[sflag:s15] =	ssyncadd.s32 $0xFFFFFFFF  }
0x96: {  	s16 =	sld [smem:$0x13];
	(tm) =	ssettm $0x1  }
0x97: {  	s17 =	sld [smem:$0x3FFB];
	_ =	sdelay $0x3  }
0x98: {  	_ =	strace s17  }
0x99: {  	s3 =	sld [smem:$0x3FFC];
	_ =	sdelay $0x3  }
0x9a: {  	_ =	strace s3  }
0x9b: {  	s3 =	sld [smem:$0x3FFD];
	_ =	sdelay $0x3  }
0x9c: {  	_ =	strace s3  }
0x9d: {  	_ =	strace $0x8FFFFFFF  }
0x9e: {  	s18 =	sld [smem:$0x3FDB];
	_ =	sdelay $0x1  }
0x9f: {  	s19 =	simm.s32 $_scs_section_size  }
0xa0: {  	s5 =	simm.s32 $_size__tile_overlayer_lowered;
	s6 =	simm.s32 $_tile_overlayer_lowered  }
0xa1: {  	s22 =	simm.s32 $0x1BFF;
	s21 =	sshll.u32 s6, $0x1;
	s3 =	sadd.s32 s19, s18  }
0xa2: {  	s7 =	simm.s32 $0x0;
	s20 =	sshll.u32 s5, $0x1;
	s5 =	sadd.s32 s21, s3  }
0xa3: {  	[timem:s7], [sflag:s22] =	dma.local [hbm:s5], s20  }
0xa4: {  	_ =	swait.ge [sflag:s22], s20  }
0xa5: {  	s4 =	ssub.s32 $0x0, s20;
	[sflag:s22] =	ssyncset.done $0x0  }
0xa6: {  	[sflag:s22] =	ssyncadd.s32 s4;
	_ =	sdelay $0x1  }
0xa7: {  	s23 =	simm.s32 $0x1B8B  }
0xa8: {  	_ =	swait.ge [sflag:s23], $0x1  }
0xa9: {  	[sflag:s23] =	ssyncset.done $0x0  }
0xaa: {  	s25 =	simm.s32 $0x1B8E;
	s24 =	sld [smem:$0x3FFE];
	[sflag:s23] =	ssyncadd.s32 $0xFFFFFFFF  }
0xab: {  	s26 =	simm.s32 $execute0_lowered;
	[smem:$0x3FD2] =	sst s25  }
0xac: {  	s5 =	sshll.u32 s26, $0x1;
	_ =	strace $0x80000046;
	[dreg:$0x1] =	wrdreg $0xFFFFFFFF  }
0xad: {  	s28 =	simm.s32 $_size_execute0_lowered;
	s3 =	sadd.s32 s3, s5;
	[dreg:$0x0] =	wrdreg $0x0  }
0xae: {  	s5 =	sshll.u32 s28, $0x1;
	[dreg:$0x2] =	wrdreg s3  }
0xaf: {  	[dreg:$0x3] =	wrdreg s5  }
0xb0: {  	[dreg:$0x4] =	wrdreg $0xC0  }
0xb1: {  	_ =	task [dreg:s7], $0x5FFFF  }
0xb2: {  	[dreg:$0x1] =	wrdreg $0xFFFFFFFF  }
0xb3: {  	[dreg:$0x0] =	wrdreg $0x60  }
0xb4: {  	[dreg:$0x2] =	wrdreg s24  }
0xb5: {  	[dreg:$0x3] =	wrdreg s16  }
0xb6: {  	[dreg:$0x4] =	wrdreg $0x9  }
0xb7: {  	_ =	task.clear_ibuf [dreg:s7], $0x5FFFF;
	_ =	strace $0x90000046  }
0xb8: {  	s29 =	simm.s32 $0x9;
	_ =	strace $0x80000048  }
0xb9: {  	_ =	swait.ge [sflag:s29], $0x1  }
0xba: {  	[sflag:s29] =	ssyncadd.s32 $0xFFFFFFFF  }
0xbb: {  	_ =	strace $0x90000048  }
0xbc: {  	_ =	sfence  }
0xbd: {  	s30 =	sld [smem:$0x0];
	_ =	sdelay $0x2  }
0xbe: {  	s31 =	sshll.u32 s1, $0xD;
	s1 =	sshrl.u32 s1, $0x2  }
0xbf: {  	s3 =	sand.u32 $0x4000, s31;
	s1 =	sadd.s32 s1, s30  }
0xc0: {  	s0 =	sor.u32 s3, s0;
	s1 =	sshll.u32 s1, $0x11  }
0xc1: {  	s0 =	sor.u32 s1, s0  }
0xc2: {  	s0 =	sadd.s32 $0x8F2B, s0  }
0xc3: {  	[sflag:s0] =	ssyncadd.remote.s32 $0x1  }
0xc4: {  	_ =	sfence.sel $0xFFFF  }
0xc5: {  	[dreg:$0x0] =	wrdreg $0xFFFFFFFF;
	(pc) =	sbr.abs _section_cstart, $3  }
0xc6: {  	[dreg:$0x1] =	wrdreg $0xFFFFFFFF  }
0xc7: {  	_ =	task.clear_ibuf [dreg:s7], $0x2FFFF;
	_ =	strace $0x9FFFFFFF  }
0xc8: {  	(tm) =	ssettm $0x7FFFFFFF  }
0xc9: {  	_ =	shalt  }
tec
execute0_lowered:
.L_overlay_start_1:
0x0: {  	(tag) =	ssettag $0x1  }
0x1: {  	s0 =	srdreg.scid;
	s4 =	rddreg [dreg:$0x0]  }
0x2: {  	s6 =	rddreg [dreg:$0x1];
	s1 =	stileid.u32  }
0x3: {  	s2 =	simm.s32 $0x0;
	s12 =	simm.s32 $0x9180;
	s13 =	simm.s32 $0x2  }
0x4: {  	s14 =	simm.s32 $0x1;
	s5 =	sand.u32 $0x1, s0;
	s0 =	rddreg [dreg:$0x2]  }
0x5: {  	s15 =	simm.s32 $0x80;
	s16 =	simm.s32 $0x400;
	[smem:$0x7FF] =	sst s2  }
0x6: {  	s8 =	sshll.u32 s1, $0x4;
	s3 =	sshll.u32 s5, $0x4;
	_ =	strace $0x80000047  }
0x7: {  	s8 =	sand.u32 $0x70, s8;
	s5 =	ssub.s32 $0x2, s5;
	s7 =	sor.u32 s1, s3  }
0x8: {  	s8 =	sadd.s32 s8, s4;
	s11 =	sshrl.u32 s5, $0x1;
	s3 =	smul.u32 $0x24, s7  }
0x9: {  	s10 =	sshll.u32 s7, $0xA;
	s7 =	smul.u32 $0x1200, s7;
	s11 =	ssub.s32 s5, s11  }
0xa: {  	s10 =	sand.u32 $0x6000, s10;
	s9 =	sadd.s32 s3, s4;
	s3 =	sadd.s32 $0x1000, s4  }
0xb: {  	s4 =	sadd.s32 $0x21600, s4;
	s8 =	sadd.s32 s10, s8;
	s6 =	sadd.s32 s6, s7  }
0xc: {  	s10 =	simm.s32 $0x120;
	s5 =	sadd.s32 $0x21000, s9;
	s7 =	sadd.s32 $0x21A00, s8  }
0xd: {  	v0 =	vimm.f32 $1.000000000e+00;
	s8 =	smax.u32 s11, $0x1;
	s9 =	simm.s32 $0x3;
	s11 =	simm.s32 $0x180  }
.LBB2_1:
0xe: {  	[tilespmem:s2], [sflag:$0x3] =	stream.linear.gather [hbm4b:s5+s2], $0x120, $0x38;
	[tilespmem:$0xB180] =	vst v63  }
0xf: {  	_ =	swait.ge [sflag:s9], $0x120  }
0x10: {  	[sflag:s9] =	ssyncset.done $0x0  }
0x11: {  	[sflag:s9] =	ssyncadd.s32 $0xFFFFFEE0  }
0x12: {  	[tilespmem:s11], [sflag:$0x1] =	stream.indirect.gather [hbm4b:s3+s10], $0x80, s2, s10, $0xb8;
	[tilespmem:$0xB180] =	vst v63  }
0x13: {  	_ = 	snop  }
0x14: {  	[tilespmem:s12], [sflag:$0x2] =	stream.linear.gather [hbm4b:s4+s2], $0x2000, $0x38;
	[tilespmem:$0xB180] =	vst v63  }
0x15: {  	_ =	swait.ge [sflag:s13], $0x2000  }
0x16: {  	[sflag:s13] =	ssyncset.done $0x0  }
0x17: {  	[sflag:s13] =	ssyncadd.s32 $0xFFFFE000  }
0x18: {  	v1 =	vld [tilespmem:$0x0];
	_ =	sdelay $0x7  }
0x19: {  	[tilespmem:v1+s12+$0x0] =	vst.idx.add.f32.msk $0xffff, v0  }
0x1a: {  	v1 =	vld [tilespmem:$0x10];
	_ =	sdelay $0x7  }
0x1b: {  	[tilespmem:v1+s12+$0x0] =	vst.idx.add.f32.msk $0xffff, v0  }
0x1c: {  	v1 =	vld [tilespmem:$0x20];
	_ =	sdelay $0x7  }
0x1d: {  	[tilespmem:v1+s12+$0x0] =	vst.idx.add.f32.msk $0xffff, v0  }
0x1e: {  	v1 =	vld [tilespmem:$0x30];
	_ =	sdelay $0x7  }
0x1f: {  	[tilespmem:v1+s12+$0x0] =	vst.idx.add.f32.msk $0xffff, v0  }
0x20: {  	v1 =	vld [tilespmem:$0x40];
	_ =	sdelay $0x7  }
0x21: {  	[tilespmem:v1+s12+$0x0] =	vst.idx.add.f32.msk $0xffff, v0  }
0x22: {  	v1 =	vld [tilespmem:$0x50];
	_ =	sdelay $0x7  }
0x23: {  	[tilespmem:v1+s12+$0x0] =	vst.idx.add.f32.msk $0xffff, v0  }
0x24: {  	v1 =	vld [tilespmem:$0x60];
	_ =	sdelay $0x7  }
0x25: {  	[tilespmem:v1+s12+$0x0] =	vst.idx.add.f32.msk $0xffff, v0  }
0x26: {  	v1 =	vld [tilespmem:$0x70];
	_ =	sdelay $0x7  }
0x27: {  	[tilespmem:v1+s12+$0x0] =	vst.idx.add.f32.msk $0xffff, v0  }
0x28: {  	v1 =	vld [tilespmem:$0x80];
	_ =	sdelay $0x7  }
0x29: {  	[tilespmem:v1+s12+$0x0] =	vst.idx.add.f32.msk $0xffff, v0  }
0x2a: {  	v1 =	vld [tilespmem:$0x90];
	_ =	sdelay $0x7  }
0x2b: {  	[tilespmem:v1+s12+$0x0] =	vst.idx.add.f32.msk $0xffff, v0  }
0x2c: {  	v1 =	vld [tilespmem:$0xA0];
	_ =	sdelay $0x7  }
0x2d: {  	[tilespmem:v1+s12+$0x0] =	vst.idx.add.f32.msk $0xffff, v0  }
0x2e: {  	v1 =	vld [tilespmem:$0xB0];
	_ =	sdelay $0x7  }
0x2f: {  	[tilespmem:v1+s12+$0x0] =	vst.idx.add.f32.msk $0xffff, v0  }
0x30: {  	v1 =	vld [tilespmem:$0xC0];
	_ =	sdelay $0x7  }
0x31: {  	[tilespmem:v1+s12+$0x0] =	vst.idx.add.f32.msk $0xffff, v0  }
0x32: {  	v1 =	vld [tilespmem:$0xD0];
	_ =	sdelay $0x7  }
0x33: {  	[tilespmem:v1+s12+$0x0] =	vst.idx.add.f32.msk $0xffff, v0  }
0x34: {  	v1 =	vld [tilespmem:$0xE0];
	_ =	sdelay $0x7  }
0x35: {  	[tilespmem:v1+s12+$0x0] =	vst.idx.add.f32.msk $0xffff, v0  }
0x36: {  	v1 =	vld [tilespmem:$0xF0];
	_ =	sdelay $0x7  }
0x37: {  	[tilespmem:v1+s12+$0x0] =	vst.idx.add.f32.msk $0xffff, v0  }
0x38: {  	v1 =	vld [tilespmem:$0x100];
	_ =	sdelay $0x7  }
0x39: {  	[tilespmem:v1+s12+$0x0] =	vst.idx.add.f32.msk $0xffff, v0  }
0x3a: {  	v1 =	vld [tilespmem:$0x110];
	_ =	sdelay $0x7  }
0x3b: {  	[tilespmem:v1+s12+$0x0] =	vst.idx.add.f32.msk $0xffff, v0  }
0x3c: {  	_ =	swait.ge [sflag:s14], $0x9000  }
0x3d: {  	[sflag:s14] =	ssyncset.done $0x0  }
0x3e: {  	[sflag:s14] =	ssyncadd.s32 $0xFFFF7000  }
0x3f: {  	[hbm4b:s6+s2] =	stream.linear.scatter [tilespmem:s11], [sflag:$0x3], $0x9000, $0x38;
	[tilespmem:$0xB180] =	vst v63  }
0x40: {  	_ =	swait.ge [sflag:s9], $0x9000  }
0x41: {  	p0 =	sne.s32 s8, $0x1;
	[sflag:s9] =	ssyncset.done $0x0  }
.Ltmp0:
0x42: {  	[sflag:s9] =	ssyncadd.s32 $0xFFFF7000;
	(pc) =	sbr.rel @p0 .LBB2_1-.Ltmp0, $4  }
0x43: {  	[hbm4b:s7+s15] =	stream.strided.scatter [tilespmem:s12], [sflag:$0x3], $0x2000, s16, s15, $0x38;
	[tilespmem:$0xB180] =	vst v63  }
0x44: {  	_ =	swait.ge [sflag:s9], $0x2000  }
0x45: {  	[sflag:s9] =	ssyncset.done $0x0  }
0x46: {  	s8 =	sadd.s32 $0xFFFFFFFF, s8;
	[sflag:s9] =	ssyncadd.s32 $0xFFFFE000  }
0x47: {  	_ =	sfence.sel $0x180000  }
0x48: {  	[bflag:$0x0] =	sbarrier.arrive $0xFFFF  }
0x49: {  	p0 =	sne.s32 s1, $0x0;
	_ =	strace $0x90000047  }
0x4a: {  	s0 =	sadd.s32 @!p0 $0x100000, s0;
	[bflag:$0x2] =	sbarrier.arrive $0xFFFF  }
0x4b: {  	[sflag:s0] =	ssyncadd.tile.s32 @!p0 $0x1;
	_ =	shalt  }
.Lfunc_end2:
_tile_overlayer_lowered:
.L_overlay_start_2:
0x4c: {  	(tag) =	ssettag $0x2  }
0x4d: {  	s0 =	rddreg [dreg:$0x0];
	s2 =	stileid.u32  }
0x4e: {  	s1 =	rddreg [dreg:$0x1];
	p0 =	sne.s32 s2, $0x0  }
0x4f: {  	s3 =	rddreg [dreg:$0x2];
	[bflag:$0x3] =	sbarrier.arrive $0xFFFF;
	s2 =	simm.s32 @!p0 $0x1C03  }
0x50: {  	[timem:s3], [sflag:s2] =	dma.local @!p0 [hbm:s0], s1  }
0x51: {  	s0 =	simm.s32 @!p0 $0x3  }
0x52: {  	_ =	swait.ge @!p0 [sflag:s0], s1  }
0x53: {  	s1 =	ssub.s32 @!p0 $0x0, s1;
	[sflag:s0] =	ssyncset.done @!p0 $0x0  }
0x54: {  	[sflag:s0] =	ssyncadd.s32 @!p0 s1  }
0x55: {  	[bflag:$0x3] =	sbarrier.arrive $0xFFFF  }
0x56: {  	_ =	shalt  }

</sc_bundles>
